<compile_context>
chip_gen: v7x
topology: tpu7x:2x2x1
jax: 0.10.2.dev20260603
libtpu: 0.0.44.dev20260713+nightly
codegen_flags: <defaults>
</compile_context>

<pallas_src>
import functools

import jax
import jax.numpy as jnp
from jax import lax
from jax.experimental import pallas as pl
from jax.experimental.pallas import tpu as pltpu
from jax.experimental.pallas import tpu_sc as plsc

NC, NS, LANES = 2, 16, 16
NW = NC * NS
CH = 512
NRW = CH // 128
RB = 1024
PK = LANES * 8


def _mesh():
    return plsc.VectorSubcoreMesh(core_axis_name="c", subcore_axis_name="s")


_SC_PARAMS = pltpu.CompilerParams(use_tc_tiling_on_sc=False)



@functools.partial(jax.jit, static_argnames=("na", "cpt"))
def _sc_degree(dst2, zeros16, ones16, *, na, cpt):
    @functools.partial(
        pl.kernel,
        out_type=(jax.ShapeDtypeStruct((na, LANES), jnp.float32),
                  jax.ShapeDtypeStruct((na, LANES), jnp.float32)),
        mesh=_mesh(),
        scratch_types=[
            pltpu.VMEM((NRW, 128), jnp.int32),
            pltpu.VMEM((128, LANES), jnp.float32),
            pltpu.VMEM_SHARED((na, LANES), jnp.float32),
            pltpu.SemaphoreType.DMA,
        ],
        compiler_params=_SC_PARAMS,
    )
    def k(dst_hbm, zero_hbm, ones_hbm, out0, out1, dst_v, ones_v, acc, sem):
        cid = lax.axis_index("c")
        sid = lax.axis_index("s")
        wid = sid * NC + cid
        zpt = na // NS
        pltpu.sync_copy(zero_hbm.at[pl.ds(sid * zpt, zpt)],
                        acc.at[pl.ds(sid * zpt, zpt)])
        pltpu.sync_copy(ones_hbm, ones_v)
        plsc.subcore_barrier()

        def chunk(kk, carry):
            rbase = wid * (cpt * NRW) + kk * NRW
            pltpu.sync_copy(dst_hbm.at[pl.ds(rbase, NRW)], dst_v)
            hs = [pltpu.async_copy(ones_v, acc.at[dst_v.at[j]], sem, add=True)
                  for j in range(NRW)]
            for h in hs:
                h.wait()
            return carry

        lax.fori_loop(0, cpt, chunk, 0)
        plsc.subcore_barrier()

        @pl.when(cid == 0)
        def _():
            pltpu.sync_copy(acc.at[pl.ds(sid * zpt, zpt)],
                            out0.at[pl.ds(sid * zpt, zpt)])

        @pl.when(cid == 1)
        def _():
            pltpu.sync_copy(acc.at[pl.ds(sid * zpt, zpt)],
                            out1.at[pl.ds(sid * zpt, zpt)])

    return k(dst2, zeros16, ones16)


@functools.partial(jax.jit, static_argnames=("na", "cpt"))
def _sc_scatter(g, src2, dst2, zeros16, *, na, cpt):
    @functools.partial(
        pl.kernel,
        out_type=(jax.ShapeDtypeStruct((na, LANES), jnp.float32),
                  jax.ShapeDtypeStruct((na, LANES), jnp.float32)),
        mesh=_mesh(),
        scratch_types=[
            pltpu.VMEM((3, NRW, 128), jnp.int32),
            pltpu.VMEM((3, NRW, 128), jnp.int32),
            pltpu.VMEM((2, CH, LANES), jnp.float32),
            pltpu.VMEM_SHARED((na, LANES), jnp.float32),
            pltpu.VMEM_SHARED((na, LANES), jnp.float32),
            pltpu.SemaphoreType.DMA,
            pltpu.SemaphoreType.DMA,
            pltpu.SemaphoreType.DMA,
            pltpu.SemaphoreType.DMA,
            pltpu.SemaphoreType.DMA,
            pltpu.SemaphoreType.DMA,
        ],
        compiler_params=_SC_PARAMS,
    )
    def k(g_hbm, src_hbm, dst_hbm, zero_hbm, out0, out1,
          src_v, dst_v, rows_v, acc, gtab,
          semg, sems0, sems1, semi0, semi1, semi2):
        cid = lax.axis_index("c")
        sid = lax.axis_index("s")
        wid = sid * NC + cid
        zpt = na // NS
        pltpu.sync_copy(zero_hbm.at[pl.ds(sid * zpt, zpt)],
                        acc.at[pl.ds(sid * zpt, zpt)])
        pltpu.sync_copy(g_hbm.at[pl.ds(sid * zpt, zpt)],
                        gtab.at[pl.ds(sid * zpt, zpt)])
        plsc.subcore_barrier()

        sems = (sems0, sems1)
        semi = (semi0, semi1, semi2)
        pend = [None, None]
        ih = [None, None, None]

        def start_idx(kk):
            s = kk % 3
            rbase = wid * (cpt * NRW) + kk * NRW
            ih[s] = [
                pltpu.async_copy(src_hbm.at[pl.ds(rbase, NRW)],
                                 src_v.at[s], semi[s]),
                pltpu.async_copy(dst_hbm.at[pl.ds(rbase, NRW)],
                                 dst_v.at[s], semi[s]),
            ]

        start_idx(0)
        for kk in range(cpt):
            b = kk % 2
            s = kk % 3
            if pend[b] is not None:
                for h in pend[b]:
                    h.wait()
                pend[b] = None
            if kk + 1 < cpt:
                start_idx(kk + 1)
            for h in ih[s]:
                h.wait()
            gs = [pltpu.async_copy(gtab.at[src_v.at[s, j]],
                                   rows_v.at[b, pl.ds(j * 128, 128)], semg)
                  for j in range(NRW)]
            for h in gs:
                h.wait()
            pend[b] = [pltpu.async_copy(rows_v.at[b, pl.ds(j * 128, 128)],
                                        acc.at[dst_v.at[s, j]], sems[b],
                                        add=True)
                       for j in range(NRW)]
        for hs in pend:
            if hs is not None:
                for h in hs:
                    h.wait()
        plsc.subcore_barrier()

        @pl.when(cid == 0)
        def _():
            pltpu.sync_copy(acc.at[pl.ds(sid * zpt, zpt)],
                            out0.at[pl.ds(sid * zpt, zpt)])

        @pl.when(cid == 1)
        def _():
            pltpu.sync_copy(acc.at[pl.ds(sid * zpt, zpt)],
                            out1.at[pl.ds(sid * zpt, zpt)])

    return k(g, src2, dst2, zeros16)



def _mm_body(xt_ref, w1t_ref, h_ref):
    h_ref[...] = lax.dot_general(xt_ref[...], w1t_ref[...],
                                 (((0,), (1,)), ((), ())),
                                 preferred_element_type=jnp.float32)


def _scale_body(h_ref, d0_ref, d1_ref, g_ref):
    dinv = lax.rsqrt(d0_ref[...] + d1_ref[...] + 1.0)
    g_ref[...] = h_ref[...] * dinv


def _mid_body(p0_ref, p1_ref, g1_ref, d0_ref, d1_ref, b1_ref, w2_ref, o_ref):
    dinv = lax.rsqrt(d0_ref[...] + d1_ref[...] + 1.0)
    s = (p0_ref[...] + p1_ref[...] + g1_ref[...]) * dinv
    out1 = jnp.maximum(s + b1_ref[0, :][None, :], 0.0)
    h2 = jnp.dot(out1, w2_ref[...], preferred_element_type=jnp.float32)
    o_ref[...] = h2 * dinv


def _fin_body(nout, q0_ref, q1_ref, g2_ref, d0_ref, d1_ref, b2_ref, ones_ref,
              o_ref):
    dinv = lax.rsqrt(d0_ref[...] + d1_ref[...] + 1.0)
    z = (q0_ref[...] + q1_ref[...] + g2_ref[...]) * dinv + b2_ref[0, :][None, :]
    feat = lax.broadcasted_iota(jnp.int32, z.shape, 1) % LANES
    e = jnp.where(feat < nout, jnp.exp(z), 0.0)
    s = jnp.dot(e, ones_ref[...], preferred_element_type=jnp.float32)
    o = z - jnp.log(s)
    o_ref[...] = jnp.transpose(o.reshape(PKR, 8, LANES),
                               (2, 0, 1)).reshape(LANES, PKR * 8)


PKR = 448


def _pk():
    return pl.BlockSpec((PKR, PK), lambda i: (i, 0))


def _row():
    return pl.BlockSpec((1, PK), lambda i: (0, 0))


def _sq():
    return pl.BlockSpec((PK, PK), lambda i: (0, 0))


def _tc_mm(xt, w1t, na):
    f = xt.shape[0]
    return pl.pallas_call(
        _mm_body,
        grid=(-(-na // RB),),
        in_specs=[
            pl.BlockSpec((f, RB), lambda i: (0, i)),
            pl.BlockSpec((LANES, f), lambda i: (0, 0)),
        ],
        out_specs=pl.BlockSpec((RB, LANES), lambda i: (i, 0)),
        out_shape=jax.ShapeDtypeStruct((na, LANES), jnp.float32),
    )(xt, w1t)


def _tc_scale(hpk, d0, d1, nr):
    return pl.pallas_call(
        _scale_body,
        grid=(-(-nr // PKR),),
        in_specs=[_pk(), _pk(), _pk()],
        out_specs=_pk(),
        out_shape=jax.ShapeDtypeStruct((nr, PK), jnp.float32),
    )(hpk, d0, d1)


def _tc_mid(p0, p1, g1, d0, d1, b1r, w2big, nr):
    return pl.pallas_call(
        _mid_body,
        grid=(-(-nr // PKR),),
        in_specs=[_pk(), _pk(), _pk(), _pk(), _pk(), _row(), _sq()],
        out_specs=_pk(),
        out_shape=jax.ShapeDtypeStruct((nr, PK), jnp.float32),
    )(p0, p1, g1, d0, d1, b1r, w2big)


def _tc_final(q0, q1, g2, d0, d1, b2r, onesbig, nr, nout):
    return pl.pallas_call(
        functools.partial(_fin_body, nout),
        grid=(-(-nr // PKR),),
        in_specs=[_pk(), _pk(), _pk(), _pk(), _pk(), _row(), _sq()],
        out_specs=pl.BlockSpec((LANES, PKR * 8), lambda i: (0, i)),
        out_shape=jax.ShapeDtypeStruct((LANES, nr * 8), jnp.float32),
    )(q0, q1, g2, d0, d1, b2r, onesbig)



def kernel(x, edge_index, W1, b1, W2, b2):
    n, _ = x.shape
    e = edge_index.shape[1]
    hid = W1.shape[1]
    nout = W2.shape[1]
    assert hid == LANES

    cpt = -(-e // (NW * CH))
    ept = cpt * CH
    na = -(-(n + 128) // 128) * 128
    nr = na * LANES // PK

    e2 = -(-e // NW) * NW
    rpt = e2 // NW
    pad2 = ept - rpt
    src = edge_index[0]
    dst = edge_index[1]
    if e2 > e:
        src = jnp.concatenate([src, jnp.zeros((e2 - e,), jnp.int32)])
        dst = jnp.concatenate(
            [dst, n + (jnp.arange(e2 - e, dtype=jnp.int32) % 128)])
    dum = n + (jnp.arange(NW * pad2, dtype=jnp.int32) % 128)
    src2 = jnp.concatenate(
        [src.reshape(NW, rpt), jnp.zeros((NW, pad2), jnp.int32)],
        axis=1).reshape(-1, 128)
    dst2 = jnp.concatenate(
        [dst.reshape(NW, rpt), dum.reshape(NW, pad2)],
        axis=1).reshape(-1, 128)
    zeros16 = jnp.zeros((na, LANES), jnp.float32)
    ones16 = jnp.ones((128, LANES), jnp.float32)

    deg0, deg1 = _sc_degree(dst2, zeros16, ones16, na=na, cpt=cpt)
    d0 = deg0.reshape(nr, PK)
    d1 = deg1.reshape(nr, PK)

    h1 = _tc_mm(x.T, W1.T, na)
    g1 = _tc_scale(h1.reshape(nr, PK), d0, d1, nr)

    p0, p1 = _sc_scatter(g1.reshape(na, LANES), src2, dst2, zeros16,
                         na=na, cpt=cpt)

    w2big = jnp.kron(jnp.eye(8, dtype=jnp.float32),
                     jnp.pad(W2, ((0, 0), (0, hid - nout))))
    b1r = jnp.tile(b1, 8).reshape(1, PK)
    g2 = _tc_mid(p0.reshape(nr, PK), p1.reshape(nr, PK), g1, d0, d1,
                 b1r, w2big, nr)

    q0, q1 = _sc_scatter(g2.reshape(na, LANES), src2, dst2, zeros16,
                         na=na, cpt=cpt)

    onesbig = jnp.kron(jnp.eye(8, dtype=jnp.float32),
                       jnp.ones((LANES, LANES), jnp.float32))
    b2r = jnp.tile(jnp.pad(b2, (0, hid - nout)), 8).reshape(1, PK)
    outt = _tc_final(q0.reshape(nr, PK), q1.reshape(nr, PK), g2, d0, d1,
                     b2r, onesbig, nr, nout)
    return outt[:nout, :n].T

# --- scband reference (transcript-rebuilt; emitter-appended) ---
"""Pipeline reference for scband-net-87875030876683 (READ-ONLY COPY).

The authoritative reference and input builder live on the scoring server;
editing this copy changes nothing except your own understanding.
"""

import jax, jax.numpy as jnp
import numpy as np

N = 50000
E = 800000
F_IN = 1433
HID = 16
OUT = 7


def setup_inputs(seed: int = 0) -> dict:
    key = jax.random.key(seed)
    k1, k2, k3, k4 = jax.random.split(key, 4)
    x = jax.random.normal(k1, (N, F_IN), dtype=jnp.float32)
    edge_index = jax.random.randint(k2, (2, E), 0, N, dtype=jnp.int32)
    W1 = jax.random.normal(k3, (F_IN, HID), dtype=jnp.float32) * (1.0 / np.sqrt(F_IN))
    b1 = jnp.zeros((HID,), dtype=jnp.float32)
    W2 = jax.random.normal(k4, (HID, OUT), dtype=jnp.float32) * (1.0 / np.sqrt(HID))
    b2 = jnp.zeros((OUT,), dtype=jnp.float32)
    return {"x": x, "edge_index": edge_index, "W1": W1, "b1": b1, "W2": W2, "b2": b2}


def _gcn_conv(x, src, dst, W, b, n):
    # GCNConv: linear transform, add self-loops, symmetric normalization, scatter-add aggregation
    h = x @ W
    loop = jnp.arange(n, dtype=src.dtype)
    src_sl = jnp.concatenate([src, loop])
    dst_sl = jnp.concatenate([dst, loop])
    deg = jax.ops.segment_sum(jnp.ones(src_sl.shape[0], dtype=h.dtype), dst_sl, num_segments=n)
    dinv = jnp.where(deg > 0, jax.lax.rsqrt(deg), 0.0)
    norm = dinv[src_sl] * dinv[dst_sl]
    msgs = h[src_sl] * norm[:, None]
    out = jax.ops.segment_sum(msgs, dst_sl, num_segments=n)
    return out + b


def reference(x, edge_index, W1, b1, W2, b2):
    src = edge_index[0]
    dst = edge_index[1]
    n = x.shape[0]
    h = _gcn_conv(x, src, dst, W1, b1, n)
    h = jax.nn.relu(h)
    # F.dropout(training=self.training): identity in eval mode
    h = _gcn_conv(h, src, dst, W2, b2, n)
    return jax.nn.log_softmax(h, axis=1)

if __name__ == "__main__":
    import jax
    _d = setup_inputs()
    print(jax.jit(kernel)(*tuple(_d.values())))

</pallas_src>

<mosaic_0001>
#map = affine_map<(d0, d1) -> (0, 0)>
module attributes {stable_mosaic.version = 14 : i64} {
  func.func @k(%arg0: i32, %arg1: i32, %arg2: memref<6272x128xi32, #tpu.memory_space<hbm>>, %arg3: memref<50176x16xf32, #tpu.memory_space<hbm>>, %arg4: memref<128x16xf32, #tpu.memory_space<hbm>>, %arg5: memref<50176x16xf32, #tpu.memory_space<hbm>>, %arg6: memref<50176x16xf32, #tpu.memory_space<hbm>>, %arg7: memref<4x128xi32, #tpu.memory_space<vmem>>, %arg8: memref<128x16xf32, #tpu.memory_space<vmem>>, %arg9: memref<50176x16xf32, #tpu.memory_space<vmem_shared>>, %arg10: memref<!tpu.dma_semaphore, #tpu.memory_space<semaphore_mem>>) attributes {dimension_semantics = [#tpu.dimension_semantics<core_parallel>, #tpu.dimension_semantics<subcore_parallel>], iteration_bounds = array<i64: 2, 16>, scalar_prefetch = 0 : i64, scratch_operands = 4 : i64, tpu.core_type = #tpu.core_type<sc_vector_subcore>, window_params = [{transform_indices = #map}, {transform_indices = #map}, {transform_indices = #map}, {transform_indices = #map}, {transform_indices = #map}]} {
    %mul3A = arith.constant 2 : i32
    %mul3A_0 = arith.muli %arg1, %mul3A : i32
    %add3A = arith.addi %mul3A_0, %arg0 : i32
    %mul3A_1 = arith.constant 3136 : i32
    %mul3A_2 = arith.muli %arg1, %mul3A_1 : i32
    %mul3A_3 = arith.constant 3136 : i32
    %mul3A_4 = arith.muli %arg1, %mul3A_3 : i32
    "tpu.region"() ({
      %run_scoped3A = tpu.sem_alloc : memref<!tpu.dma_semaphore, #tpu.memory_space<semaphore_mem>>
      %dma_start3A = arith.constant 0 : i32
      %dma_start3A_18 = tpu.memref_slice %arg9[%mul3A_4, %dma_start3A] : memref<50176x16xf32, #tpu.memory_space<vmem_shared>> -> memref<3136x16xf32, #tpu.memory_space<vmem_shared>>
      %dma_start3A_19 = arith.constant 0 : i32
      %dma_start3A_20 = tpu.memref_slice %arg3[%mul3A_2, %dma_start3A_19] : memref<50176x16xf32, #tpu.memory_space<hbm>> -> memref<3136x16xf32, #tpu.memory_space<hbm>>
      tpu.enqueue_dma source(%dma_start3A_20 : memref<3136x16xf32, #tpu.memory_space<hbm>>) target(%dma_start3A_18 : memref<3136x16xf32, #tpu.memory_space<vmem_shared>>) target_semaphore(%run_scoped3A : memref<!tpu.dma_semaphore, #tpu.memory_space<semaphore_mem>>)
      %dma_wait3A = arith.constant 0 : i32
      %dma_wait3A_21 = tpu.memref_slice %arg9[%mul3A_4, %dma_wait3A] : memref<50176x16xf32, #tpu.memory_space<vmem_shared>> -> memref<3136x16xf32, #tpu.memory_space<vmem_shared>>
      %dma_wait3A_22 = arith.constant 0 : i32
      %dma_wait3A_23 = tpu.memref_slice %arg3[%mul3A_2, %dma_wait3A_22] : memref<50176x16xf32, #tpu.memory_space<hbm>> -> memref<3136x16xf32, #tpu.memory_space<hbm>>
      tpu.wait_dma2 semaphore(%run_scoped3A : memref<!tpu.dma_semaphore, #tpu.memory_space<semaphore_mem>>) src(%dma_wait3A_23 : memref<3136x16xf32, #tpu.memory_space<hbm>>) dst(%dma_wait3A_21 : memref<3136x16xf32, #tpu.memory_space<vmem_shared>>)
      tpu.yield
    }) : () -> ()
    "tpu.region"() ({
      %run_scoped3A = tpu.sem_alloc : memref<!tpu.dma_semaphore, #tpu.memory_space<semaphore_mem>>
      tpu.enqueue_dma source(%arg4 : memref<128x16xf32, #tpu.memory_space<hbm>>) target(%arg8 : memref<128x16xf32, #tpu.memory_space<vmem>>) target_semaphore(%run_scoped3A : memref<!tpu.dma_semaphore, #tpu.memory_space<semaphore_mem>>)
      tpu.wait_dma2 semaphore(%run_scoped3A : memref<!tpu.dma_semaphore, #tpu.memory_space<semaphore_mem>>) src(%arg4 : memref<128x16xf32, #tpu.memory_space<hbm>>) dst(%arg8 : memref<128x16xf32, #tpu.memory_space<vmem>>)
      tpu.yield
    }) : () -> ()
    %barrier3A = arith.constant 0 : index
    tpu.barrier barrier_id(%barrier3A)
    %scan3A = arith.constant 0 : i32
    %scan3A_5 = arith.constant 0 : i32
    %scan3A_6 = arith.constant 49 : i32
    %scan3A_7 = arith.addi %scan3A_5, %scan3A_6 : i32
    %scan3A_8 = arith.constant 1 : i32
    scf.for %scan3A_18 = %scan3A_5 to %scan3A_7 step %scan3A_8  : i32 {
      %mul3A_19 = arith.constant 196 : i32
      %mul3A_20 = arith.muli %add3A, %mul3A_19 : i32
      %mul3A_21 = arith.constant 4 : i32
      %mul3A_22 = arith.muli %scan3A_18, %mul3A_21 : i32
      %add3A_23 = arith.addi %mul3A_20, %mul3A_22 : i32
      "tpu.region"() ({
        %run_scoped3A = tpu.sem_alloc : memref<!tpu.dma_semaphore, #tpu.memory_space<semaphore_mem>>
        %dma_start3A_78 = arith.constant 0 : i32
        %dma_start3A_79 = tpu.memref_slice %arg2[%add3A_23, %dma_start3A_78] : memref<6272x128xi32, #tpu.memory_space<hbm>> -> memref<4x128xi32, #tpu.memory_space<hbm>>
        %dma_start3A_80 = arith.constant 0 : i32
        %dma_start3A_81 = tpu.memref_slice %arg2[%add3A_23, %dma_start3A_80] : memref<6272x128xi32, #tpu.memory_space<hbm>> -> memref<4x128xi32, #tpu.memory_space<hbm>>
        tpu.enqueue_dma source(%dma_start3A_81 : memref<4x128xi32, #tpu.memory_space<hbm>>) target(%arg7 : memref<4x128xi32, #tpu.memory_space<vmem>>) target_semaphore(%run_scoped3A : memref<!tpu.dma_semaphore, #tpu.memory_space<semaphore_mem>>)
        %dma_wait3A_82 = arith.constant 0 : i32
        %dma_wait3A_83 = tpu.memref_slice %arg2[%add3A_23, %dma_wait3A_82] : memref<6272x128xi32, #tpu.memory_space<hbm>> -> memref<4x128xi32, #tpu.memory_space<hbm>>
        %dma_wait3A_84 = arith.constant 0 : i32
        %dma_wait3A_85 = tpu.memref_slice %arg2[%add3A_23, %dma_wait3A_84] : memref<6272x128xi32, #tpu.memory_space<hbm>> -> memref<4x128xi32, #tpu.memory_space<hbm>>
        tpu.wait_dma2 semaphore(%run_scoped3A : memref<!tpu.dma_semaphore, #tpu.memory_space<semaphore_mem>>) src(%dma_wait3A_85 : memref<4x128xi32, #tpu.memory_space<hbm>>) dst(%arg7 : memref<4x128xi32, #tpu.memory_space<vmem>>)
        tpu.yield
      }) : () -> ()
      %dma_start3A = arith.constant 0 : i32
      %dma_start3A_24 = arith.constant 0 : i32
      %dma_start3A_25 = tpu.memref_slice %arg7[%dma_start3A, %dma_start3A_24] : memref<4x128xi32, #tpu.memory_space<vmem>> -> memref<1x128xi32, #tpu.memory_space<vmem>>
      %dma_start3A_26 = tpu.memref_squeeze %dma_start3A_25 : memref<1x128xi32, #tpu.memory_space<vmem>> -> memref<128xi32, #tpu.memory_space<vmem>>
      %dma_start3A_27 = arith.constant 0 : i32
      %dma_start3A_28 = arith.constant 0 : i32
      %dma_start3A_29 = tpu.memref_slice %arg9[%dma_start3A_27, %dma_start3A_28] : memref<50176x16xf32, #tpu.memory_space<vmem_shared>> -> memref<50176x16xf32, #tpu.memory_space<vmem_shared>>
      tpu.enqueue_indirect_dma source(%arg8 : memref<128x16xf32, #tpu.memory_space<vmem>>) target(%dma_start3A_29 : memref<50176x16xf32, #tpu.memory_space<vmem_shared>>) offsets(%dma_start3A_26 : memref<128xi32, #tpu.memory_space<vmem>>) semaphore(%arg10 : memref<!tpu.dma_semaphore, #tpu.memory_space<semaphore_mem>>) {add = true}
      %dma_start3A_30 = arith.constant 1 : i32
      %dma_start3A_31 = arith.constant 0 : i32
      %dma_start3A_32 = tpu.memref_slice %arg7[%dma_start3A_30, %dma_start3A_31] : memref<4x128xi32, #tpu.memory_space<vmem>> -> memref<1x128xi32, #tpu.memory_space<vmem>>
      %dma_start3A_33 = tpu.memref_squeeze %dma_start3A_32 : memref<1x128xi32, #tpu.memory_space<vmem>> -> memref<128xi32, #tpu.memory_space<vmem>>
      %dma_start3A_34 = arith.constant 0 : i32
      %dma_start3A_35 = arith.constant 0 : i32
      %dma_start3A_36 = tpu.memref_slice %arg9[%dma_start3A_34, %dma_start3A_35] : memref<50176x16xf32, #tpu.memory_space<vmem_shared>> -> memref<50176x16xf32, #tpu.memory_space<vmem_shared>>
      tpu.enqueue_indirect_dma source(%arg8 : memref<128x16xf32, #tpu.memory_space<vmem>>) target(%dma_start3A_36 : memref<50176x16xf32, #tpu.memory_space<vmem_shared>>) offsets(%dma_start3A_33 : memref<128xi32, #tpu.memory_space<vmem>>) semaphore(%arg10 : memref<!tpu.dma_semaphore, #tpu.memory_space<semaphore_mem>>) {add = true}
      %dma_start3A_37 = arith.constant 2 : i32
      %dma_start3A_38 = arith.constant 0 : i32
      %dma_start3A_39 = tpu.memref_slice %arg7[%dma_start3A_37, %dma_start3A_38] : memref<4x128xi32, #tpu.memory_space<vmem>> -> memref<1x128xi32, #tpu.memory_space<vmem>>
      %dma_start3A_40 = tpu.memref_squeeze %dma_start3A_39 : memref<1x128xi32, #tpu.memory_space<vmem>> -> memref<128xi32, #tpu.memory_space<vmem>>
      %dma_start3A_41 = arith.constant 0 : i32
      %dma_start3A_42 = arith.constant 0 : i32
      %dma_start3A_43 = tpu.memref_slice %arg9[%dma_start3A_41, %dma_start3A_42] : memref<50176x16xf32, #tpu.memory_space<vmem_shared>> -> memref<50176x16xf32, #tpu.memory_space<vmem_shared>>
      tpu.enqueue_indirect_dma source(%arg8 : memref<128x16xf32, #tpu.memory_space<vmem>>) target(%dma_start3A_43 : memref<50176x16xf32, #tpu.memory_space<vmem_shared>>) offsets(%dma_start3A_40 : memref<128xi32, #tpu.memory_space<vmem>>) semaphore(%arg10 : memref<!tpu.dma_semaphore, #tpu.memory_space<semaphore_mem>>) {add = true}
      %dma_start3A_44 = arith.constant 3 : i32
      %dma_start3A_45 = arith.constant 0 : i32
      %dma_start3A_46 = tpu.memref_slice %arg7[%dma_start3A_44, %dma_start3A_45] : memref<4x128xi32, #tpu.memory_space<vmem>> -> memref<1x128xi32, #tpu.memory_space<vmem>>
      %dma_start3A_47 = tpu.memref_squeeze %dma_start3A_46 : memref<1x128xi32, #tpu.memory_space<vmem>> -> memref<128xi32, #tpu.memory_space<vmem>>
      %dma_start3A_48 = arith.constant 0 : i32
      %dma_start3A_49 = arith.constant 0 : i32
      %dma_start3A_50 = tpu.memref_slice %arg9[%dma_start3A_48, %dma_start3A_49] : memref<50176x16xf32, #tpu.memory_space<vmem_shared>> -> memref<50176x16xf32, #tpu.memory_space<vmem_shared>>
      tpu.enqueue_indirect_dma source(%arg8 : memref<128x16xf32, #tpu.memory_space<vmem>>) target(%dma_start3A_50 : memref<50176x16xf32, #tpu.memory_space<vmem_shared>>) offsets(%dma_start3A_47 : memref<128xi32, #tpu.memory_space<vmem>>) semaphore(%arg10 : memref<!tpu.dma_semaphore, #tpu.memory_space<semaphore_mem>>) {add = true}
      %dma_wait3A = arith.constant 0 : i32
      %dma_wait3A_51 = arith.constant 0 : i32
      %dma_wait3A_52 = tpu.memref_slice %arg7[%dma_wait3A, %dma_wait3A_51] : memref<4x128xi32, #tpu.memory_space<vmem>> -> memref<1x128xi32, #tpu.memory_space<vmem>>
      %dma_wait3A_53 = tpu.memref_squeeze %dma_wait3A_52 : memref<1x128xi32, #tpu.memory_space<vmem>> -> memref<128xi32, #tpu.memory_space<vmem>>
      %dma_wait3A_54 = arith.constant 0 : i32
      %dma_wait3A_55 = arith.constant 0 : i32
      %dma_wait3A_56 = tpu.memref_slice %arg9[%dma_wait3A_54, %dma_wait3A_55] : memref<50176x16xf32, #tpu.memory_space<vmem_shared>> -> memref<50176x16xf32, #tpu.memory_space<vmem_shared>>
      tpu.wait_indirect_dma semaphore(%arg10 : memref<!tpu.dma_semaphore, #tpu.memory_space<semaphore_mem>>) src(%arg8 : memref<128x16xf32, #tpu.memory_space<vmem>>) dst(%dma_wait3A_56 : memref<50176x16xf32, #tpu.memory_space<vmem_shared>>)
      %dma_wait3A_57 = arith.constant 1 : i32
      %dma_wait3A_58 = arith.constant 0 : i32
      %dma_wait3A_59 = tpu.memref_slice %arg7[%dma_wait3A_57, %dma_wait3A_58] : memref<4x128xi32, #tpu.memory_space<vmem>> -> memref<1x128xi32, #tpu.memory_space<vmem>>
      %dma_wait3A_60 = tpu.memref_squeeze %dma_wait3A_59 : memref<1x128xi32, #tpu.memory_space<vmem>> -> memref<128xi32, #tpu.memory_space<vmem>>
      %dma_wait3A_61 = arith.constant 0 : i32
      %dma_wait3A_62 = arith.constant 0 : i32
      %dma_wait3A_63 = tpu.memref_slice %arg9[%dma_wait3A_61, %dma_wait3A_62] : memref<50176x16xf32, #tpu.memory_space<vmem_shared>> -> memref<50176x16xf32, #tpu.memory_space<vmem_shared>>
      tpu.wait_indirect_dma semaphore(%arg10 : memref<!tpu.dma_semaphore, #tpu.memory_space<semaphore_mem>>) src(%arg8 : memref<128x16xf32, #tpu.memory_space<vmem>>) dst(%dma_wait3A_63 : memref<50176x16xf32, #tpu.memory_space<vmem_shared>>)
      %dma_wait3A_64 = arith.constant 2 : i32
      %dma_wait3A_65 = arith.constant 0 : i32
      %dma_wait3A_66 = tpu.memref_slice %arg7[%dma_wait3A_64, %dma_wait3A_65] : memref<4x128xi32, #tpu.memory_space<vmem>> -> memref<1x128xi32, #tpu.memory_space<vmem>>
      %dma_wait3A_67 = tpu.memref_squeeze %dma_wait3A_66 : memref<1x128xi32, #tpu.memory_space<vmem>> -> memref<128xi32, #tpu.memory_space<vmem>>
      %dma_wait3A_68 = arith.constant 0 : i32
      %dma_wait3A_69 = arith.constant 0 : i32
      %dma_wait3A_70 = tpu.memref_slice %arg9[%dma_wait3A_68, %dma_wait3A_69] : memref<50176x16xf32, #tpu.memory_space<vmem_shared>> -> memref<50176x16xf32, #tpu.memory_space<vmem_shared>>
      tpu.wait_indirect_dma semaphore(%arg10 : memref<!tpu.dma_semaphore, #tpu.memory_space<semaphore_mem>>) src(%arg8 : memref<128x16xf32, #tpu.memory_space<vmem>>) dst(%dma_wait3A_70 : memref<50176x16xf32, #tpu.memory_space<vmem_shared>>)
      %dma_wait3A_71 = arith.constant 3 : i32
      %dma_wait3A_72 = arith.constant 0 : i32
      %dma_wait3A_73 = tpu.memref_slice %arg7[%dma_wait3A_71, %dma_wait3A_72] : memref<4x128xi32, #tpu.memory_space<vmem>> -> memref<1x128xi32, #tpu.memory_space<vmem>>
      %dma_wait3A_74 = tpu.memref_squeeze %dma_wait3A_73 : memref<1x128xi32, #tpu.memory_space<vmem>> -> memref<128xi32, #tpu.memory_space<vmem>>
      %dma_wait3A_75 = arith.constant 0 : i32
      %dma_wait3A_76 = arith.constant 0 : i32
      %dma_wait3A_77 = tpu.memref_slice %arg9[%dma_wait3A_75, %dma_wait3A_76] : memref<50176x16xf32, #tpu.memory_space<vmem_shared>> -> memref<50176x16xf32, #tpu.memory_space<vmem_shared>>
      tpu.wait_indirect_dma semaphore(%arg10 : memref<!tpu.dma_semaphore, #tpu.memory_space<semaphore_mem>>) src(%arg8 : memref<128x16xf32, #tpu.memory_space<vmem>>) dst(%dma_wait3A_77 : memref<50176x16xf32, #tpu.memory_space<vmem_shared>>)
    }
    %scan3A_9 = arith.constant 49 : i32
    %barrier3A_10 = arith.constant 0 : index
    tpu.barrier barrier_id(%barrier3A_10)
    %eq3A = arith.constant 0 : i32
    %eq3A_11 = arith.cmpi eq, %arg0, %eq3A : i32
    %convert_element_type3A = arith.extui %eq3A_11 : i1 to i32
    %cond3A = arith.constant 0 : i32
    %cond3A_12 = arith.cmpi ne, %convert_element_type3A, %cond3A : i32
    scf.if %cond3A_12 {
      %mul3A_18 = arith.constant 3136 : i32
      %mul3A_19 = arith.muli %arg1, %mul3A_18 : i32
      %mul3A_20 = arith.constant 3136 : i32
      %mul3A_21 = arith.muli %arg1, %mul3A_20 : i32
      "tpu.region"() ({
        %run_scoped3A = tpu.sem_alloc : memref<!tpu.dma_semaphore, #tpu.memory_space<semaphore_mem>>
        %dma_start3A = arith.constant 0 : i32
        %dma_start3A_22 = tpu.memref_slice %arg5[%mul3A_21, %dma_start3A] : memref<50176x16xf32, #tpu.memory_space<hbm>> -> memref<3136x16xf32, #tpu.memory_space<hbm>>
        %dma_start3A_23 = arith.constant 0 : i32
        %dma_start3A_24 = tpu.memref_slice %arg9[%mul3A_19, %dma_start3A_23] : memref<50176x16xf32, #tpu.memory_space<vmem_shared>> -> memref<3136x16xf32, #tpu.memory_space<vmem_shared>>
        tpu.enqueue_dma source(%dma_start3A_24 : memref<3136x16xf32, #tpu.memory_space<vmem_shared>>) target(%dma_start3A_22 : memref<3136x16xf32, #tpu.memory_space<hbm>>) target_semaphore(%run_scoped3A : memref<!tpu.dma_semaphore, #tpu.memory_space<semaphore_mem>>)
        %dma_wait3A = arith.constant 0 : i32
        %dma_wait3A_25 = tpu.memref_slice %arg5[%mul3A_21, %dma_wait3A] : memref<50176x16xf32, #tpu.memory_space<hbm>> -> memref<3136x16xf32, #tpu.memory_space<hbm>>
        %dma_wait3A_26 = arith.constant 0 : i32
        %dma_wait3A_27 = tpu.memref_slice %arg9[%mul3A_19, %dma_wait3A_26] : memref<50176x16xf32, #tpu.memory_space<vmem_shared>> -> memref<3136x16xf32, #tpu.memory_space<vmem_shared>>
        tpu.wait_dma2 semaphore(%run_scoped3A : memref<!tpu.dma_semaphore, #tpu.memory_space<semaphore_mem>>) src(%dma_wait3A_27 : memref<3136x16xf32, #tpu.memory_space<vmem_shared>>) dst(%dma_wait3A_25 : memref<3136x16xf32, #tpu.memory_space<hbm>>)
        tpu.yield
      }) : () -> ()
    } else {
    }
    %eq3A_13 = arith.constant 1 : i32
    %eq3A_14 = arith.cmpi eq, %arg0, %eq3A_13 : i32
    %convert_element_type3A_15 = arith.extui %eq3A_14 : i1 to i32
    %cond3A_16 = arith.constant 0 : i32
    %cond3A_17 = arith.cmpi ne, %convert_element_type3A_15, %cond3A_16 : i32
    scf.if %cond3A_17 {
      %mul3A_18 = arith.constant 3136 : i32
      %mul3A_19 = arith.muli %arg1, %mul3A_18 : i32
      %mul3A_20 = arith.constant 3136 : i32
      %mul3A_21 = arith.muli %arg1, %mul3A_20 : i32
      "tpu.region"() ({
        %run_scoped3A = tpu.sem_alloc : memref<!tpu.dma_semaphore, #tpu.memory_space<semaphore_mem>>
        %dma_start3A = arith.constant 0 : i32
        %dma_start3A_22 = tpu.memref_slice %arg6[%mul3A_21, %dma_start3A] : memref<50176x16xf32, #tpu.memory_space<hbm>> -> memref<3136x16xf32, #tpu.memory_space<hbm>>
        %dma_start3A_23 = arith.constant 0 : i32
        %dma_start3A_24 = tpu.memref_slice %arg9[%mul3A_19, %dma_start3A_23] : memref<50176x16xf32, #tpu.memory_space<vmem_shared>> -> memref<3136x16xf32, #tpu.memory_space<vmem_shared>>
        tpu.enqueue_dma source(%dma_start3A_24 : memref<3136x16xf32, #tpu.memory_space<vmem_shared>>) target(%dma_start3A_22 : memref<3136x16xf32, #tpu.memory_space<hbm>>) target_semaphore(%run_scoped3A : memref<!tpu.dma_semaphore, #tpu.memory_space<semaphore_mem>>)
        %dma_wait3A = arith.constant 0 : i32
        %dma_wait3A_25 = tpu.memref_slice %arg6[%mul3A_21, %dma_wait3A] : memref<50176x16xf32, #tpu.memory_space<hbm>> -> memref<3136x16xf32, #tpu.memory_space<hbm>>
        %dma_wait3A_26 = arith.constant 0 : i32
        %dma_wait3A_27 = tpu.memref_slice %arg9[%mul3A_19, %dma_wait3A_26] : memref<50176x16xf32, #tpu.memory_space<vmem_shared>> -> memref<3136x16xf32, #tpu.memory_space<vmem_shared>>
        tpu.wait_dma2 semaphore(%run_scoped3A : memref<!tpu.dma_semaphore, #tpu.memory_space<semaphore_mem>>) src(%dma_wait3A_27 : memref<3136x16xf32, #tpu.memory_space<vmem_shared>>) dst(%dma_wait3A_25 : memref<3136x16xf32, #tpu.memory_space<hbm>>)
        tpu.yield
      }) : () -> ()
    } else {
    }
    return
  }
}

</mosaic_0001>

<sc_bundles>
// kernel: _sc_degree.3.cloned.1.call-start
scs
__scs_entry_jumppad:
0x0: {  	(pc) =	sbr.rel $0x88, $3  }
0x1: {  	(tag) =	ssettag $0x0;
	lr =	simm.s32 $0x1  }
0x2: {  	[smem:$0x3F9E] =	sst lr;
	_ =	strace $0xD0000000  }
0x3: {  	_ = 	snop  }
0x4: {  	_ = 	snop  }
0x5: {  	_ = 	snop  }
0x6: {  	_ = 	snop  }
0x7: {  	_ = 	snop  }
__scs_overlays_trampoline_lowered:
0x8: {  	[smem:$0x3FAD] =	sst s0  }
0x9: {  	[smem:$0x3FAE] =	sst s1  }
0xa: {  	[smem:$0x3FAF] =	sst s2  }
0xb: {  	[smem:$0x3FB0] =	sst s3  }
0xc: {  	[smem:$0x3FB1] =	sst s4  }
0xd: {  	[smem:$0x3FB2] =	sst s5  }
0xe: {  	[smem:$0x3FB3] =	sst s6  }
0xf: {  	[smem:$0x3FB4] =	sst s7  }
0x10: {  	[smem:$0x3FB5] =	sst s8  }
0x11: {  	[smem:$0x3FB6] =	sst s9;
	s0 =	simm.s32 @!p0 $0x0  }
0x12: {  	s1 =	sld [smem:$0x3F9C];
	s0 =	simm.s32 @p0 $0x1  }
0x13: {  	[smem:$0x3FB7] =	sst s0;
	s0 =	simm.s32 @!p1 $0x0  }
0x14: {  	s2 =	sld [smem:$0x3F9B];
	s0 =	simm.s32 @p1 $0x1  }
0x15: {  	[smem:$0x3FB8] =	sst s0;
	s0 =	simm.s32 @!p2 $0x0  }
0x16: {  	s3 =	sld [smem:$0x3FDB];
	s0 =	simm.s32 @p2 $0x1  }
0x17: {  	s4 =	simm.s32 $0x1BF5;
	[smem:$0x3FBA] =	sst s0  }
0x18: {  	s0 =	sld [smem:$0x3F9D];
	_ =	swait.ge [sflag:s4], $0x0  }
0x19: {  	s7 =	sld [smem:$0x3F9E]  }
0x1a: {  	s8 =	sadd.s32 $0xFFFFE003, lr  }
0x1b: {  	s9 =	sadd.s32 $0xFFFFFEF7, lr;
	s5 =	simm.s32 $0xFFFFFFFF;
	p2 =	slt.u32 s8, $0xFFFFF086  }
0x1c: {  	p1 =	slt.u32 s9, $0xF7A;
	s5 =	simm.s32 @!p2 $0x0  }
0x1d: {  	s5 =	simm.s32 @p1 $0x1;
	p0 =	seq.s32 s7, s2  }
0x1e: {  	s7 =	smul.u32 @!p0 $0xF7A, s2;
	p2 =	seq.s32 @!p0 s5, $0x0  }
0x1f: {  	s9 =	smul.u32 $0xF7A, s1;
	s8 =	simm.s32 @!p0 $0x1BF5;
	p2 =	por !p2, p0  }
0x20: {  	[sflag:s8] =	ssyncset.s32 @!p0 $0xFFFFF086;
	s6 =	sadd.s32 @!p0 s3, s7;
	s7 =	simm.s32 @!p0 $0x108  }
0x21: {  	s3 =	sadd.s32 s3, s9;
	s6 =	sadd.s32 @!p0 $0x88, s6;
	s7 =	simm.s32 @p2 $0x1082  }
0x22: {  	[simem:s7], [sflag:s8] =	dma.local @!p0 [hbm:s6], $0xF7A  }
0x23: {  	s9 =	sor.u32 $0xD0000000, s2;
	s6 =	simm.s32 $0x108;
	_ =	swait.ge @!p0 [sflag:s8], $0x0  }
0x24: {  	s3 =	sadd.s32 $0x88, s3;
	s6 =	simm.s32 @!p1 $0x1082;
	[sflag:s4] =	ssyncset.s32 $0xFFFFF086  }
0x25: {  	[simem:s6], [sflag:s4] =	dma.local [hbm:s3], $0xF7A  }
0x26: {  	[smem:$0x3F9E] =	sst s1;
	(tag) =	ssettag s2;
	_ =	strace s9  }
0x27: {  	s1 =	sld [smem:$0x3FAE]  }
0x28: {  	s2 =	sld [smem:$0x3FAF]  }
0x29: {  	s4 =	sld [smem:$0x3FB1]  }
0x2a: {  	p0 =	seq.s32 s5, $0x0;
	s5 =	sld [smem:$0x3FB2]  }
0x2b: {  	s6 =	sld [smem:$0x3FB3]  }
0x2c: {  	s7 =	sld [smem:$0x3FB4]  }
0x2d: {  	s3 =	simm.s32 $0x108;
	s8 =	sld [smem:$0x3FB5]  }
0x2e: {  	s3 =	simm.s32 @!p0 $0x1082;
	s9 =	sld [smem:$0x3FB6]  }
0x2f: {  	lr =	sadd.s32 s0, s3;
	s0 =	sld [smem:$0x3FAD]  }
0x30: {  	s3 =	sld [smem:$0x3FB0]  }
0x31: {  	[smem:$0x3FB9] =	sst s10  }
0x32: {  	s10 =	sld [smem:$0x3FB7];
	_ =	sdelay $0x3  }
0x33: {  	p0 =	seq.s32 s10, $0x1;
	s10 =	sld [smem:$0x3FB9];
	_ =	sdelay $0x3  }
0x34: {  	[smem:$0x3FB9] =	sst s10  }
0x35: {  	s10 =	sld [smem:$0x3FB8];
	_ =	sdelay $0x3  }
0x36: {  	p1 =	seq.s32 s10, $0x1;
	s10 =	sld [smem:$0x3FB9];
	_ =	sdelay $0x3  }
0x37: {  	[smem:$0x3FB9] =	sst s10  }
0x38: {  	s10 =	sld [smem:$0x3FBA]  }
0x39: {  	_ = 	snop;
	(pc) =	sbr.ind lr, $3  }
0x3a: {  	_ = 	snop  }
0x3b: {  	_ = 	snop  }
0x3c: {  	p2 =	seq.s32 s10, $0x1;
	s10 =	sld [smem:$0x3FB9]  }
0x3d: {  	_ =	shalt  }
0x3e: {  	_ =	shalt  }
0x3f: {  	_ =	shalt  }
0x40: {  	_ =	shalt  }
0x41: {  	_ =	shalt  }
0x42: {  	_ =	shalt  }
0x43: {  	_ =	shalt  }
0x44: {  	_ =	shalt  }
0x45: {  	_ =	shalt  }
0x46: {  	_ =	shalt  }
0x47: {  	_ =	shalt  }
0x48: {  	_ =	shalt  }
0x49: {  	_ =	shalt  }
0x4a: {  	_ =	shalt  }
0x4b: {  	_ =	shalt  }
0x4c: {  	_ =	shalt  }
0x4d: {  	_ =	shalt  }
0x4e: {  	_ =	shalt  }
0x4f: {  	_ =	shalt  }
0x50: {  	_ =	shalt  }
0x51: {  	_ =	shalt  }
0x52: {  	_ =	shalt  }
0x53: {  	_ =	shalt  }
0x54: {  	_ =	shalt  }
0x55: {  	_ =	shalt  }
0x56: {  	_ =	shalt  }
0x57: {  	_ =	shalt  }
0x58: {  	_ =	shalt  }
0x59: {  	_ =	shalt  }
0x5a: {  	_ =	shalt  }
0x5b: {  	_ =	shalt  }
0x5c: {  	_ =	shalt  }
0x5d: {  	_ =	shalt  }
0x5e: {  	_ =	shalt  }
0x5f: {  	_ =	shalt  }
0x60: {  	_ =	shalt  }
0x61: {  	_ =	shalt  }
0x62: {  	_ =	shalt  }
0x63: {  	_ =	shalt  }
0x64: {  	_ =	shalt  }
0x65: {  	_ =	shalt  }
0x66: {  	_ =	shalt  }
0x67: {  	_ =	shalt  }
0x68: {  	_ =	shalt  }
0x69: {  	_ =	shalt  }
0x6a: {  	_ =	shalt  }
0x6b: {  	_ =	shalt  }
0x6c: {  	_ =	shalt  }
0x6d: {  	_ =	shalt  }
0x6e: {  	_ =	shalt  }
0x6f: {  	_ =	shalt  }
0x70: {  	_ =	shalt  }
0x71: {  	_ =	shalt  }
0x72: {  	_ =	shalt  }
0x73: {  	_ =	shalt  }
0x74: {  	_ =	shalt  }
0x75: {  	_ =	shalt  }
0x76: {  	_ =	shalt  }
0x77: {  	_ =	shalt  }
0x78: {  	_ =	shalt  }
0x79: {  	_ =	shalt  }
0x7a: {  	_ =	shalt  }
0x7b: {  	_ =	shalt  }
0x7c: {  	_ =	shalt  }
0x7d: {  	_ =	shalt  }
0x7e: {  	_ =	shalt  }
0x7f: {  	_ =	shalt  }
0x80: {  	_ =	shalt  }
0x81: {  	_ =	shalt  }
0x82: {  	_ =	shalt  }
0x83: {  	_ =	shalt  }
0x84: {  	_ =	shalt  }
0x85: {  	_ =	shalt  }
0x86: {  	_ =	shalt  }
0x87: {  	_ =	shalt  }
.Lfunc_end0:
.L_simem_size_0:
called_computation_lowered:
.L_overlay_start_0:
0x88: {  	s2 =	sld [smem:$0x3FD9]  }
0x89: {  	s3 =	sld [smem:$0x3FFE];
	_ =	sdelay $0x1  }
0x8a: {  	s1 =	srdreg.scid  }
0x8b: {  	s0 =	sand.u32 $0x1, s1  }
0x8c: {  	s14 =	sshll.u32 s0, $0xA;
	s2 =	sadd.s32 s3, s2  }
0x8d: {  	s2 =	sadd.s32 s2, s14  }
0x8e: {  	[smem:$0x3FC5] =	sst s2  }
0x8f: {  	_ = 	snop  }
0x90: {  	s2 =	sld [smem:$0x3FD0];
	_ =	sdelay $0x2  }
0x91: {  	s4 =	simm.s32 $0xA;
	s5 =	simm.s32 $0x10;
	s15 =	sld [smem:$0x3FC9]  }
0x92: {  	[smem:s5], [sflag:s4] =	dma.local [hbm:s2], $0x1  }
0x93: {  	_ =	swait.eq [sflag:s4], $0x1  }
0x94: {  	[sflag:s4] =	ssyncset.done $0x0  }
0x95: {  	s16 =	sld [smem:$0x10];
	[sflag:s4] =	ssyncadd.s32 $0xFFFFFFFF  }
0x96: {  	s17 =	sld [smem:$0x11];
	(tm) =	ssettm $0x1  }
0x97: {  	s18 =	sld [smem:$0x3FFB];
	_ =	sdelay $0x3  }
0x98: {  	_ =	strace s18  }
0x99: {  	s5 =	sld [smem:$0x3FFC];
	_ =	sdelay $0x3  }
0x9a: {  	_ =	strace s5  }
0x9b: {  	s5 =	sld [smem:$0x3FFD];
	_ =	sdelay $0x3  }
0x9c: {  	_ =	strace s5  }
0x9d: {  	_ =	strace $0x8FFFFFFF  }
0x9e: {  	s19 =	sld [smem:$0x3FDB];
	_ =	sdelay $0x1  }
0x9f: {  	s6 =	simm.s32 $_scs_section_size  }
0xa0: {  	s7 =	simm.s32 $_size__tile_overlayer_lowered;
	s8 =	simm.s32 $_tile_overlayer_lowered  }
0xa1: {  	s22 =	simm.s32 $0x1BFF;
	s21 =	sshll.u32 s8, $0x1;
	s5 =	sadd.s32 s6, s19  }
0xa2: {  	s9 =	simm.s32 $0x0;
	s20 =	sshll.u32 s7, $0x1;
	s7 =	sadd.s32 s21, s5  }
0xa3: {  	[timem:s9], [sflag:s22] =	dma.local [hbm:s7], s20  }
0xa4: {  	_ =	swait.ge [sflag:s22], s20  }
0xa5: {  	s6 =	ssub.s32 $0x0, s20;
	[sflag:s22] =	ssyncset.done $0x0  }
0xa6: {  	[sflag:s22] =	ssyncadd.s32 s6;
	_ =	sdelay $0x1  }
0xa7: {  	s23 =	simm.s32 $0x1B8B  }
0xa8: {  	_ =	swait.ge [sflag:s23], $0x1  }
0xa9: {  	[sflag:s23] =	ssyncset.done $0x0  }
0xaa: {  	s25 =	simm.s32 $0x1B8E;
	s24 =	sld [smem:$0x3FFE];
	[sflag:s23] =	ssyncadd.s32 $0xFFFFFFFF  }
0xab: {  	s26 =	simm.s32 $execute0_lowered;
	[smem:$0x3FD2] =	sst s25  }
0xac: {  	s7 =	sshll.u32 s26, $0x1;
	_ =	strace $0x80000046;
	[dreg:$0x1] =	wrdreg $0xFFFFFFFF  }
0xad: {  	s28 =	simm.s32 $_size_execute0_lowered;
	s5 =	sadd.s32 s5, s7;
	[dreg:$0x0] =	wrdreg $0x0  }
0xae: {  	s7 =	sshll.u32 s28, $0x1;
	[dreg:$0x2] =	wrdreg s5  }
0xaf: {  	[dreg:$0x3] =	wrdreg s7  }
0xb0: {  	[dreg:$0x4] =	wrdreg $0xC0  }
0xb1: {  	_ =	task [dreg:s9], $0x5FFFF  }
0xb2: {  	[dreg:$0x1] =	wrdreg $0xFFFFFFFF  }
0xb3: {  	[dreg:$0x0] =	wrdreg $0x60  }
0xb4: {  	[dreg:$0x2] =	wrdreg s15  }
0xb5: {  	[dreg:$0x3] =	wrdreg s17  }
0xb6: {  	[dreg:$0x4] =	wrdreg s24  }
0xb7: {  	[dreg:$0x5] =	wrdreg s16  }
0xb8: {  	[dreg:$0x6] =	wrdreg $0xA000  }
0xb9: {  	[dreg:$0x7] =	wrdreg $0x9  }
0xba: {  	_ =	task.clear_ibuf [dreg:s9], $0x8FFFF;
	_ =	strace $0x90000046  }
0xbb: {  	s29 =	simm.s32 $0x9;
	_ =	strace $0x80000048  }
0xbc: {  	_ =	swait.ge [sflag:s29], $0x1  }
0xbd: {  	[sflag:s29] =	ssyncadd.s32 $0xFFFFFFFF  }
0xbe: {  	_ =	strace $0x90000048  }
0xbf: {  	_ =	sfence  }
0xc0: {  	s30 =	sld [smem:$0x0];
	_ =	sdelay $0x2  }
0xc1: {  	s31 =	sshll.u32 s1, $0xD;
	s1 =	sshrl.u32 s1, $0x2  }
0xc2: {  	s3 =	sand.u32 $0x4000, s31;
	s1 =	sadd.s32 s1, s30  }
0xc3: {  	s0 =	sor.u32 s3, s0;
	s1 =	sshll.u32 s1, $0x11  }
0xc4: {  	s0 =	sor.u32 s1, s0  }
0xc5: {  	s0 =	sadd.s32 $0x8F2B, s0  }
0xc6: {  	[sflag:s0] =	ssyncadd.remote.s32 $0x1  }
0xc7: {  	_ =	sfence.sel $0xFFFF  }
0xc8: {  	[dreg:$0x0] =	wrdreg $0xFFFFFFFF;
	(pc) =	sbr.abs _section_cstart, $3  }
0xc9: {  	[dreg:$0x1] =	wrdreg $0xFFFFFFFF  }
0xca: {  	_ =	task.clear_ibuf [dreg:s9], $0x2FFFF;
	_ =	strace $0x9FFFFFFF  }
0xcb: {  	(tm) =	ssettm $0x7FFFFFFF  }
tec
execute0_lowered:
.L_overlay_start_1:
0x0: {  	(tag) =	ssettag $0x1  }
0x1: {  	s9 =	rddreg [dreg:$0x0]  }
0x2: {  	s5 =	rddreg [dreg:$0x1]  }
0x3: {  	s6 =	rddreg [dreg:$0x2]  }
0x4: {  	s8 =	rddreg [dreg:$0x3]  }
0x5: {  	s1 =	rddreg [dreg:$0x4];
	s2 =	srdreg.scid  }
0x6: {  	s0 =	rddreg [dreg:$0x5];
	s3 =	simm.s32 $0x0;
	s16 =	simm.s32 $0x1  }
0x7: {  	s17 =	simm.s32 $0x0;
	s7 =	sand.u32 $0x1, s2;
	[smem:$0x7FF] =	sst s3  }
0x8: {  	s2 =	stileid.u32;
	s4 =	sadd.s32 $0xA00, s6;
	s13 =	sadd.s32 $0xC00, s6  }
0x9: {  	s10 =	ssub.s32 $0x2, s7;
	_ =	strace $0x80000047;
	s12 =	smul.u32 $0xC400, s2  }
0xa: {  	s15 =	smul.u32 $0x6200, s7;
	s30 =	sshll.u32 s2, $0x6;
	p0 =	seq.s32 s7, $0x1  }
0xb: {  	s11 =	sshrl.u32 s10, $0x1;
	s6 =	sor.u32 $0x1C02, s30;
	s8 =	smov.u32 @p0 s13  }
0xc: {  	s13 =	simm.s32 $0x80;
	s10 =	ssub.s32 s10, s11;
	s29 =	sadd.s32 s12, s1  }
0xd: {  	s14 =	sshrl.u32 s12, $0x3;
	s12 =	sadd.s32 s15, s12;
	s11 =	simm.s32 $0x2  }
0xe: {  	s15 =	simm.s32 $0x180;
	s5 =	sadd.s32 s5, s14;
	s7 =	smax.u32 s10, $0x1  }
0xf: {  	s8 =	sadd.s32 s8, s14;
	s31 =	sshrl.u32 s12, $0x3;
	s10 =	sshrl.u32 s29, $0x3  }
0x10: {  	s12 =	simm.s32 $0x200;
	s14 =	simm.s32 $0x100;
	s9 =	sadd.s32 s31, s9  }
.LBB2_1:
0x11: {  	[spmem:s10], [sflag:s6] =	dma.local [hbm:s5], $0x1880  }
0x12: {  	_ =	swait.ge [sflag:s11], $0x1880  }
0x13: {  	[sflag:s11] =	ssyncset.done $0x0  }
0x14: {  	[sflag:s11] =	ssyncadd.s32 $0xFFFFE780  }
0x15: {  	[tilespmem:s12], [sflag:$0x2] =	stream.linear.gather [hbm4b:s4+s3], $0x800, $0x38;
	[tilespmem:$0xCE00] =	vst v63  }
0x16: {  	_ =	swait.ge [sflag:s11], $0x800  }
0x17: {  	[sflag:s11] =	ssyncset.done $0x0  }
0x18: {  	[sflag:s11] =	ssyncadd.s32 $0xFFFFF800  }
0x19: {  	s18 =	sadd.s32 $0x0, s9;
	[bflag:$0x0] =	sbarrier.arrive $0xFFFF  }
0x1a: {  	[tilespmem:s3], [sflag:$0x2] =	stream.linear.gather [hbm4b:s18+s3], $0x200, $0x38;
	[tilespmem:$0xCE00] =	vst v63  }
0x1b: {  	_ =	swait.ge [sflag:s11], $0x200  }
0x1c: {  	[sflag:s11] =	ssyncset.done $0x0  }
0x1d: {  	[sflag:s11] =	ssyncadd.s32 $0xFFFFFE00  }
0x1e: {  	[spmem:s1] =	stream.indirect.scatter.add.f32 [tilespmem:s12], [sflag:$0x1], $0x10, s3, s13, $0xb8;
	[tilespmem:$0xCE00] =	vst v63  }
0x1f: {  	_ = 	snop  }
0x20: {  	[spmem:s1] =	stream.indirect.scatter.add.f32 [tilespmem:s12], [sflag:$0x1], $0x10, s13, s13, $0xb8;
	[tilespmem:$0xCE00] =	vst v63  }
0x21: {  	_ = 	snop  }
0x22: {  	[spmem:s1] =	stream.indirect.scatter.add.f32 [tilespmem:s12], [sflag:$0x1], $0x10, s14, s13, $0xb8;
	[tilespmem:$0xCE00] =	vst v63  }
0x23: {  	_ = 	snop  }
0x24: {  	[spmem:s1] =	stream.indirect.scatter.add.f32 [tilespmem:s12], [sflag:$0x1], $0x10, s15, s13, $0xb8;
	[tilespmem:$0xCE00] =	vst v63  }
0x25: {  	_ =	swait.ge [sflag:s16], $0x800  }
0x26: {  	[sflag:s16] =	ssyncset.done $0x0  }
0x27: {  	[sflag:s16] =	ssyncadd.s32 $0xFFFFF800  }
0x28: {  	_ =	swait.ge [sflag:s16], $0x800  }
0x29: {  	[sflag:s16] =	ssyncset.done $0x0  }
0x2a: {  	[sflag:s16] =	ssyncadd.s32 $0xFFFFF800  }
0x2b: {  	_ =	swait.ge [sflag:s16], $0x800  }
0x2c: {  	[sflag:s16] =	ssyncset.done $0x0  }
0x2d: {  	[sflag:s16] =	ssyncadd.s32 $0xFFFFF800  }
0x2e: {  	_ =	swait.ge [sflag:s16], $0x800  }
0x2f: {  	s19 =	simm.s32 $0x80;
	s18 =	simm.s32 $0x40;
	[sflag:s16] =	ssyncset.done $0x0  }
.LBB2_2:
0x30: {  	s20 =	sadd.s32 s18, s9  }
0x31: {  	[sflag:s16] =	ssyncadd.s32 $0xFFFFF800;
	s18 =	smov.u32 s19;
	s21 =	sadd.s32 $0x40, s19  }
0x32: {  	[tilespmem:s3], [sflag:$0x2] =	stream.linear.gather [hbm4b:s20+s3], $0x200, $0x38;
	[tilespmem:$0xCE00] =	vst v63  }
0x33: {  	p0 =	sne.s32 s19, $0xC00;
	_ =	swait.ge [sflag:s11], $0x200  }
0x34: {  	[sflag:s11] =	ssyncset.done $0x0  }
0x35: {  	[sflag:s11] =	ssyncadd.s32 $0xFFFFFE00  }
0x36: {  	[spmem:s1] =	stream.indirect.scatter.add.f32 [tilespmem:s12], [sflag:$0x1], $0x10, s3, s13, $0xb8;
	[tilespmem:$0xCE00] =	vst v63  }
0x37: {  	_ = 	snop  }
0x38: {  	[spmem:s1] =	stream.indirect.scatter.add.f32 [tilespmem:s12], [sflag:$0x1], $0x10, s13, s13, $0xb8;
	[tilespmem:$0xCE00] =	vst v63  }
0x39: {  	_ = 	snop  }
0x3a: {  	[spmem:s1] =	stream.indirect.scatter.add.f32 [tilespmem:s12], [sflag:$0x1], $0x10, s14, s13, $0xb8;
	[tilespmem:$0xCE00] =	vst v63  }
0x3b: {  	_ = 	snop  }
0x3c: {  	[spmem:s1] =	stream.indirect.scatter.add.f32 [tilespmem:s12], [sflag:$0x1], $0x10, s15, s13, $0xb8;
	[tilespmem:$0xCE00] =	vst v63  }
0x3d: {  	_ =	swait.ge [sflag:s16], $0x800  }
0x3e: {  	[sflag:s16] =	ssyncset.done $0x0  }
0x3f: {  	[sflag:s16] =	ssyncadd.s32 $0xFFFFF800  }
0x40: {  	_ =	swait.ge [sflag:s16], $0x800  }
0x41: {  	[sflag:s16] =	ssyncset.done $0x0  }
0x42: {  	[sflag:s16] =	ssyncadd.s32 $0xFFFFF800  }
.Ltmp0:
0x43: {  	_ =	swait.ge [sflag:s16], $0x800;
	(pc) =	sbr.rel @p0 .LBB2_2-.Ltmp0, $4  }
0x44: {  	[sflag:s16] =	ssyncset.done $0x0  }
0x45: {  	[sflag:s16] =	ssyncadd.s32 $0xFFFFF800  }
0x46: {  	_ =	swait.ge [sflag:s16], $0x800  }
0x47: {  	s19 =	smov.u32 s21;
	[sflag:s16] =	ssyncset.done $0x0  }
0x48: {  	s18 =	sadd.s32 s18, s9;
	[sflag:s16] =	ssyncadd.s32 $0xFFFFF800  }
0x49: {  	[tilespmem:s3], [sflag:$0x2] =	stream.linear.gather [hbm4b:s18+s3], $0x200, $0x38;
	[tilespmem:$0xCE00] =	vst v63  }
0x4a: {  	_ =	swait.ge [sflag:s11], $0x200  }
0x4b: {  	[sflag:s11] =	ssyncset.done $0x0  }
0x4c: {  	[sflag:s11] =	ssyncadd.s32 $0xFFFFFE00  }
0x4d: {  	[spmem:s1] =	stream.indirect.scatter.add.f32 [tilespmem:s12], [sflag:$0x1], $0x10, s3, s13, $0xb8;
	[tilespmem:$0xCE00] =	vst v63  }
0x4e: {  	_ = 	snop  }
0x4f: {  	[spmem:s1] =	stream.indirect.scatter.add.f32 [tilespmem:s12], [sflag:$0x1], $0x10, s13, s13, $0xb8;
	[tilespmem:$0xCE00] =	vst v63  }
0x50: {  	_ = 	snop  }
0x51: {  	[spmem:s1] =	stream.indirect.scatter.add.f32 [tilespmem:s12], [sflag:$0x1], $0x10, s14, s13, $0xb8;
	[tilespmem:$0xCE00] =	vst v63  }
0x52: {  	_ = 	snop  }
0x53: {  	[spmem:s1] =	stream.indirect.scatter.add.f32 [tilespmem:s12], [sflag:$0x1], $0x10, s15, s13, $0xb8;
	[tilespmem:$0xCE00] =	vst v63  }
0x54: {  	_ =	swait.ge [sflag:s16], $0x800  }
0x55: {  	[sflag:s16] =	ssyncset.done $0x0  }
0x56: {  	[sflag:s16] =	ssyncadd.s32 $0xFFFFF800  }
0x57: {  	_ =	swait.ge [sflag:s16], $0x800  }
0x58: {  	[sflag:s16] =	ssyncset.done $0x0  }
0x59: {  	[sflag:s16] =	ssyncadd.s32 $0xFFFFF800  }
0x5a: {  	_ =	swait.ge [sflag:s16], $0x800  }
0x5b: {  	[sflag:s16] =	ssyncset.done $0x0  }
0x5c: {  	[sflag:s16] =	ssyncadd.s32 $0xFFFFF800  }
0x5d: {  	_ =	swait.ge [sflag:s16], $0x800  }
0x5e: {  	s17 =	sadd.s32 $0x1, s17;
	[sflag:s16] =	ssyncset.done $0x0  }
0x5f: {  	p0 =	sne.s32 s17, s7;
	[sflag:s16] =	ssyncadd.s32 $0xFFFFF800  }
.Ltmp1:
0x60: {  	[bflag:$0x0] =	sbarrier.arrive $0xFFFF;
	(pc) =	sbr.rel @p0 .LBB2_1-.Ltmp1, $4  }
0x61: {  	[hbm:s8], [sflag:s6] =	dma.local [spmem:s10], $0x1880  }
0x62: {  	_ =	swait.ge [sflag:s11], $0x1880  }
0x63: {  	[sflag:s11] =	ssyncset.done $0x0  }
0x64: {  	[sflag:s11] =	ssyncadd.s32 $0xFFFFE780  }
0x65: {  	_ =	sfence.sel $0x180000  }
0x66: {  	[bflag:$0x0] =	sbarrier.arrive $0xFFFF  }
0x67: {  	p0 =	sne.s32 s2, $0x0;
	_ =	strace $0x90000047  }
0x68: {  	s0 =	sadd.s32 @!p0 $0x100000, s0;
	[bflag:$0x2] =	sbarrier.arrive $0xFFFF  }
0x69: {  	[sflag:s0] =	ssyncadd.tile.s32 @!p0 $0x1;
	_ =	shalt  }
.Lfunc_end2:
_tile_overlayer_lowered:
.L_overlay_start_2:
0x6a: {  	(tag) =	ssettag $0x2  }
0x6b: {  	s0 =	rddreg [dreg:$0x0];
	s2 =	stileid.u32  }
0x6c: {  	s1 =	rddreg [dreg:$0x1];
	p0 =	sne.s32 s2, $0x0  }
0x6d: {  	s3 =	rddreg [dreg:$0x2];
	[bflag:$0x3] =	sbarrier.arrive $0xFFFF;
	s2 =	simm.s32 @!p0 $0x1C02  }
0x6e: {  	[timem:s3], [sflag:s2] =	dma.local @!p0 [hbm:s0], s1  }
0x6f: {  	s0 =	simm.s32 @!p0 $0x2  }
0x70: {  	_ =	swait.ge @!p0 [sflag:s0], s1  }
0x71: {  	s1 =	ssub.s32 @!p0 $0x0, s1;
	[sflag:s0] =	ssyncset.done @!p0 $0x0  }
0x72: {  	[sflag:s0] =	ssyncadd.s32 @!p0 s1  }
0x73: {  	[bflag:$0x3] =	sbarrier.arrive $0xFFFF  }
0x74: {  	_ =	shalt  }

</sc_bundles>
